<compile_context>
chip_gen: v7x
topology: tpu7x:2x2x1
jax: 0.10.2.dev20260603
libtpu: 0.0.44.dev20260713+nightly
codegen_flags: <defaults>
</compile_context>

<pallas_src>
import functools

import jax
import jax.numpy as jnp
from jax import lax
from jax.experimental import pallas as pl
from jax.experimental.pallas import tpu as pltpu
from jax.experimental.pallas import tpu_sc as plsc

_B, _C, _H, _W = 4, 96, 384, 384
_K = 16
_P = _K * _K
_G = _C // 16
_CB = 24


def _zero_body(out_ref):
    out_ref[...] = jnp.zeros_like(out_ref)


_sc_mesh = plsc.VectorSubcoreMesh(
    core_axis_name="c", subcore_axis_name="s", num_cores=1
)


@functools.partial(
    pl.kernel,
    out_type=jax.ShapeDtypeStruct((_B * _P,), jnp.float32),
    mesh=_sc_mesh,
    scratch_types=[
        pltpu.VMEM((_P, _C), jnp.float32),
        pltpu.VMEM((_C,), jnp.int32),
        pltpu.VMEM((_C,), jnp.float32),
        pltpu.VMEM((_P,), jnp.float32),
        pltpu.SemaphoreType.DMA,
        pltpu.SemaphoreType.DMA,
        pltpu.SemaphoreType.DMA,
    ],
)
def _sc_patch(xt_hbm, x0_hbm, out_hbm, win_v, idx_v, val_v, zero_v, s1, s2, s3):
    wid = lax.axis_index("s")

    @pl.when(wid < _B)
    def _():
        base = wid * _P
        win_dma = pltpu.async_copy(xt_hbm.at[wid], win_v, s1)
        for r in range(_P // 16):
            zero_v[pl.ds(16 * r, 16)] = jnp.zeros((16,), jnp.float32)
        zero_dma = pltpu.async_copy(zero_v, out_hbm.at[pl.ds(base, _P)], s2)
        win_dma.wait()

        init = []
        for q in range(_G):
            init.append(jnp.abs(win_v[0, pl.ds(16 * q, 16)]))
        init += [jnp.zeros((16,), jnp.int32)] * _G

        def step(e, carry):
            ms, ps = carry[:_G], carry[_G:]
            out_m, out_p = [], []
            for q in range(_G):
                a = jnp.abs(win_v[e, pl.ds(16 * q, 16)])
                upd = a > ms[q]
                out_m.append(jnp.where(upd, a, ms[q]))
                out_p.append(jnp.where(upd, e, ps[q]))
            return tuple(out_m + out_p)

        carry = lax.fori_loop(1, _P, step, tuple(init))
        for q in range(_G):
            idx_v[pl.ds(16 * q, 16)] = carry[_G + q] + base

        pltpu.async_copy(x0_hbm.at[idx_v], val_v, s3).wait()
        zero_dma.wait()
        pltpu.async_copy(val_v, out_hbm.at[idx_v], s1).wait()


def _stitch_body(canvas_ref, patch_ref, out_ref):
    del canvas_ref
    out_ref[...] = jnp.zeros_like(out_ref)
    out_ref[0, 0, :, 0:_K] = patch_ref[0]


def kernel(input_):
    xw = input_[:, :, :_K, :_K].reshape(_B, _C, _P)
    xt = xw.transpose(0, 2, 1)
    x0 = xw[:, 0, :].reshape(_B * _P)
    patch = _sc_patch(xt, x0).reshape(_B, _K, _K)
    canvas = pl.pallas_call(
        _zero_body,
        grid=(_B, _C // _CB),
        out_specs=pl.BlockSpec((1, _CB, _H, _W), lambda b, jc: (b, jc, 0, 0)),
        out_shape=jax.ShapeDtypeStruct((_B, _C, _H, _W), jnp.float32),
        compiler_params=pltpu.CompilerParams(
            dimension_semantics=("parallel", "parallel"),
        ),
    )()
    return pl.pallas_call(
        _stitch_body,
        grid=(_B,),
        in_specs=[
            pl.BlockSpec(memory_space=pl.ANY),
            pl.BlockSpec((1, _K, _K), lambda b: (b, 0, 0)),
        ],
        out_specs=pl.BlockSpec((1, 1, _K, _W), lambda b: (b, 0, 0, 0)),
        out_shape=jax.ShapeDtypeStruct((_B, _C, _H, _W), jnp.float32),
        input_output_aliases={0: 0},
    )(canvas, patch)

# --- scband reference (transcript-rebuilt; emitter-appended) ---
"""Pipeline reference for scband-extrema-pool-indices2-d-74174085202145 (READ-ONLY COPY).

The authoritative reference and input builder live on the scoring server;
editing this copy changes nothing except your own understanding.
"""

import jax, jax.numpy as jnp
import numpy as np

POOL_SIZE = 16

def setup_inputs(seed: int = 0) -> dict:
    key = jax.random.key(seed)
    input_ = jax.random.normal(key, (4, 96, 384, 384), dtype=jnp.float32)
    return {"input_": input_}

def _extrema_pool_indices_2d(input_, k):
    B, C, H, W = input_.shape
    x_flat = input_.reshape(B, -1)
    a = jnp.abs(input_)
    # non-overlapping kxk windows (stride == kernel_size, as in F.max_pool2d default)
    aw = a.reshape(B, C, H // k, k, W // k, k)
    aw = aw.transpose(0, 1, 2, 4, 3, 5).reshape(B, C, H // k, W // k, k * k)
    # argmax within each window; row-major window order matches PyTorch tie-breaking
    local_idx = jnp.argmax(aw, axis=-1)
    lh = local_idx // k
    lw = local_idx % k
    hh = jnp.arange(H // k, dtype=local_idx.dtype)[None, None, :, None] * k + lh
    ww = jnp.arange(W // k, dtype=local_idx.dtype)[None, None, None, :] * k + lw
    # PyTorch max_pool2d(return_indices=True): indices are flattened per-channel (h*W + w)
    flat_idx = hh * W + ww  # [B, C, H//k, W//k]
    idx00 = flat_idx[:, :, 0, 0]  # [B, C] -- only the (0,0) window is used upstream
    # gather from the [B, C*H*W] flattened input with per-channel indices (< H*W),
    # i.e. effectively reads from channel 0's region, exactly as the torch code does
    gathered = jnp.take_along_axis(x_flat, idx00, axis=-1)  # [B, C]
    primary = jnp.zeros_like(x_flat)
    out = primary.at[jnp.arange(B)[:, None], idx00].set(gathered)
    return out.reshape(input_.shape)

def reference(input_):
    return _extrema_pool_indices_2d(input_, POOL_SIZE)

if __name__ == "__main__":
    import jax
    _d = setup_inputs()
    print(jax.jit(kernel)(*tuple(_d.values())))

</pallas_src>

<mosaic_0001>
#map = affine_map<(d0, d1) -> (0, 0, 0)>
#map1 = affine_map<(d0, d1) -> (0)>
module attributes {stable_mosaic.version = 14 : i64} {
  func.func @_sc_patch(%arg0: i32, %arg1: i32, %arg2: memref<4x256x96xf32, #tpu.memory_space<hbm>>, %arg3: memref<1024xf32, #tpu.memory_space<hbm>>, %arg4: memref<1024xf32, #tpu.memory_space<hbm>>, %arg5: memref<256x96xf32, #tpu.memory_space<vmem>>, %arg6: memref<96xi32, #tpu.memory_space<vmem>>, %arg7: memref<96xf32, #tpu.memory_space<vmem>>, %arg8: memref<256xf32, #tpu.memory_space<vmem>>, %arg9: memref<!tpu.dma_semaphore, #tpu.memory_space<semaphore_mem>>, %arg10: memref<!tpu.dma_semaphore, #tpu.memory_space<semaphore_mem>>, %arg11: memref<!tpu.dma_semaphore, #tpu.memory_space<semaphore_mem>>) attributes {dimension_semantics = [#tpu.dimension_semantics<core_parallel>, #tpu.dimension_semantics<subcore_parallel>], iteration_bounds = array<i64: 1, 16>, scalar_prefetch = 0 : i64, scratch_operands = 7 : i64, tpu.core_type = #tpu.core_type<sc_vector_subcore>, window_params = [{transform_indices = #map}, {transform_indices = #map1}, {transform_indices = #map1}]} {
    %lt3A = arith.constant 4 : i32
    %lt3A_0 = arith.cmpi slt, %arg1, %lt3A : i32
    %convert_element_type3A = arith.extui %lt3A_0 : i1 to i32
    %cond3A = arith.constant 0 : i32
    %cond3A_1 = arith.cmpi ne, %convert_element_type3A, %cond3A : i32
    scf.if %cond3A_1 {
      %mul3A = arith.constant 256 : i32
      %mul3A_2 = arith.muli %arg1, %mul3A : i32
      %dma_start3A = arith.constant 0 : i32
      %dma_start3A_3 = arith.constant 0 : i32
      %dma_start3A_4 = tpu.memref_slice %arg2[%arg1, %dma_start3A, %dma_start3A_3] : memref<4x256x96xf32, #tpu.memory_space<hbm>> -> memref<1x256x96xf32, #tpu.memory_space<hbm>>
      %dma_start3A_5 = tpu.memref_squeeze %dma_start3A_4 : memref<1x256x96xf32, #tpu.memory_space<hbm>> -> memref<256x96xf32, #tpu.memory_space<hbm>>
      %dma_start3A_6 = arith.constant 0 : i32
      %dma_start3A_7 = arith.constant 0 : i32
      %dma_start3A_8 = tpu.memref_slice %arg2[%arg1, %dma_start3A_6, %dma_start3A_7] : memref<4x256x96xf32, #tpu.memory_space<hbm>> -> memref<1x256x96xf32, #tpu.memory_space<hbm>>
      %dma_start3A_9 = tpu.memref_squeeze %dma_start3A_8 : memref<1x256x96xf32, #tpu.memory_space<hbm>> -> memref<256x96xf32, #tpu.memory_space<hbm>>
      tpu.enqueue_dma source(%dma_start3A_9 : memref<256x96xf32, #tpu.memory_space<hbm>>) target(%arg5 : memref<256x96xf32, #tpu.memory_space<vmem>>) target_semaphore(%arg9 : memref<!tpu.dma_semaphore, #tpu.memory_space<semaphore_mem>>)
      %broadcast_in_dim3A = arith.constant 0.000000e+00 : f32
      %broadcast_in_dim3A_10 = vector.broadcast %broadcast_in_dim3A : f32 to vector<16xf32>
      %swap3A = arith.constant 0 : index
      %swap3A_11 = tpu.vector_load %arg8[%swap3A] {strides = array<i32>} : memref<256xf32, #tpu.memory_space<vmem>>, vector<16xf32>,
      %swap3A_12 = vector.shape_cast %swap3A_11 : vector<16xf32> to vector<16xf32>
      %swap3A_13 = vector.shape_cast %broadcast_in_dim3A_10 : vector<16xf32> to vector<16xf32>
      tpu.vector_store %arg8[%swap3A], %swap3A_13 {strides = array<i32>} : memref<256xf32, #tpu.memory_space<vmem>>, vector<16xf32>,
      %broadcast_in_dim3A_14 = arith.constant 0.000000e+00 : f32
      %broadcast_in_dim3A_15 = vector.broadcast %broadcast_in_dim3A_14 : f32 to vector<16xf32>
      %swap3A_16 = arith.constant 16 : index
      %swap3A_17 = tpu.vector_load %arg8[%swap3A_16] {strides = array<i32>} : memref<256xf32, #tpu.memory_space<vmem>>, vector<16xf32>,
      %swap3A_18 = vector.shape_cast %swap3A_17 : vector<16xf32> to vector<16xf32>
      %swap3A_19 = vector.shape_cast %broadcast_in_dim3A_15 : vector<16xf32> to vector<16xf32>
      tpu.vector_store %arg8[%swap3A_16], %swap3A_19 {strides = array<i32>} : memref<256xf32, #tpu.memory_space<vmem>>, vector<16xf32>,
      %broadcast_in_dim3A_20 = arith.constant 0.000000e+00 : f32
      %broadcast_in_dim3A_21 = vector.broadcast %broadcast_in_dim3A_20 : f32 to vector<16xf32>
      %swap3A_22 = arith.constant 32 : index
      %swap3A_23 = tpu.vector_load %arg8[%swap3A_22] {strides = array<i32>} : memref<256xf32, #tpu.memory_space<vmem>>, vector<16xf32>,
      %swap3A_24 = vector.shape_cast %swap3A_23 : vector<16xf32> to vector<16xf32>
      %swap3A_25 = vector.shape_cast %broadcast_in_dim3A_21 : vector<16xf32> to vector<16xf32>
      tpu.vector_store %arg8[%swap3A_22], %swap3A_25 {strides = array<i32>} : memref<256xf32, #tpu.memory_space<vmem>>, vector<16xf32>,
      %broadcast_in_dim3A_26 = arith.constant 0.000000e+00 : f32
      %broadcast_in_dim3A_27 = vector.broadcast %broadcast_in_dim3A_26 : f32 to vector<16xf32>
      %swap3A_28 = arith.constant 48 : index
      %swap3A_29 = tpu.vector_load %arg8[%swap3A_28] {strides = array<i32>} : memref<256xf32, #tpu.memory_space<vmem>>, vector<16xf32>,
      %swap3A_30 = vector.shape_cast %swap3A_29 : vector<16xf32> to vector<16xf32>
      %swap3A_31 = vector.shape_cast %broadcast_in_dim3A_27 : vector<16xf32> to vector<16xf32>
      tpu.vector_store %arg8[%swap3A_28], %swap3A_31 {strides = array<i32>} : memref<256xf32, #tpu.memory_space<vmem>>, vector<16xf32>,
      %broadcast_in_dim3A_32 = arith.constant 0.000000e+00 : f32
      %broadcast_in_dim3A_33 = vector.broadcast %broadcast_in_dim3A_32 : f32 to vector<16xf32>
      %swap3A_34 = arith.constant 64 : index
      %swap3A_35 = tpu.vector_load %arg8[%swap3A_34] {strides = array<i32>} : memref<256xf32, #tpu.memory_space<vmem>>, vector<16xf32>,
      %swap3A_36 = vector.shape_cast %swap3A_35 : vector<16xf32> to vector<16xf32>
      %swap3A_37 = vector.shape_cast %broadcast_in_dim3A_33 : vector<16xf32> to vector<16xf32>
      tpu.vector_store %arg8[%swap3A_34], %swap3A_37 {strides = array<i32>} : memref<256xf32, #tpu.memory_space<vmem>>, vector<16xf32>,
      %broadcast_in_dim3A_38 = arith.constant 0.000000e+00 : f32
      %broadcast_in_dim3A_39 = vector.broadcast %broadcast_in_dim3A_38 : f32 to vector<16xf32>
      %swap3A_40 = arith.constant 80 : index
      %swap3A_41 = tpu.vector_load %arg8[%swap3A_40] {strides = array<i32>} : memref<256xf32, #tpu.memory_space<vmem>>, vector<16xf32>,
      %swap3A_42 = vector.shape_cast %swap3A_41 : vector<16xf32> to vector<16xf32>
      %swap3A_43 = vector.shape_cast %broadcast_in_dim3A_39 : vector<16xf32> to vector<16xf32>
      tpu.vector_store %arg8[%swap3A_40], %swap3A_43 {strides = array<i32>} : memref<256xf32, #tpu.memory_space<vmem>>, vector<16xf32>,
      %broadcast_in_dim3A_44 = arith.constant 0.000000e+00 : f32
      %broadcast_in_dim3A_45 = vector.broadcast %broadcast_in_dim3A_44 : f32 to vector<16xf32>
      %swap3A_46 = arith.constant 96 : index
      %swap3A_47 = tpu.vector_load %arg8[%swap3A_46] {strides = array<i32>} : memref<256xf32, #tpu.memory_space<vmem>>, vector<16xf32>,
      %swap3A_48 = vector.shape_cast %swap3A_47 : vector<16xf32> to vector<16xf32>
      %swap3A_49 = vector.shape_cast %broadcast_in_dim3A_45 : vector<16xf32> to vector<16xf32>
      tpu.vector_store %arg8[%swap3A_46], %swap3A_49 {strides = array<i32>} : memref<256xf32, #tpu.memory_space<vmem>>, vector<16xf32>,
      %broadcast_in_dim3A_50 = arith.constant 0.000000e+00 : f32
      %broadcast_in_dim3A_51 = vector.broadcast %broadcast_in_dim3A_50 : f32 to vector<16xf32>
      %swap3A_52 = arith.constant 112 : index
      %swap3A_53 = tpu.vector_load %arg8[%swap3A_52] {strides = array<i32>} : memref<256xf32, #tpu.memory_space<vmem>>, vector<16xf32>,
      %swap3A_54 = vector.shape_cast %swap3A_53 : vector<16xf32> to vector<16xf32>
      %swap3A_55 = vector.shape_cast %broadcast_in_dim3A_51 : vector<16xf32> to vector<16xf32>
      tpu.vector_store %arg8[%swap3A_52], %swap3A_55 {strides = array<i32>} : memref<256xf32, #tpu.memory_space<vmem>>, vector<16xf32>,
      %broadcast_in_dim3A_56 = arith.constant 0.000000e+00 : f32
      %broadcast_in_dim3A_57 = vector.broadcast %broadcast_in_dim3A_56 : f32 to vector<16xf32>
      %swap3A_58 = arith.constant 128 : index
      %swap3A_59 = tpu.vector_load %arg8[%swap3A_58] {strides = array<i32>} : memref<256xf32, #tpu.memory_space<vmem>>, vector<16xf32>,
      %swap3A_60 = vector.shape_cast %swap3A_59 : vector<16xf32> to vector<16xf32>
      %swap3A_61 = vector.shape_cast %broadcast_in_dim3A_57 : vector<16xf32> to vector<16xf32>
      tpu.vector_store %arg8[%swap3A_58], %swap3A_61 {strides = array<i32>} : memref<256xf32, #tpu.memory_space<vmem>>, vector<16xf32>,
      %broadcast_in_dim3A_62 = arith.constant 0.000000e+00 : f32
      %broadcast_in_dim3A_63 = vector.broadcast %broadcast_in_dim3A_62 : f32 to vector<16xf32>
      %swap3A_64 = arith.constant 144 : index
      %swap3A_65 = tpu.vector_load %arg8[%swap3A_64] {strides = array<i32>} : memref<256xf32, #tpu.memory_space<vmem>>, vector<16xf32>,
      %swap3A_66 = vector.shape_cast %swap3A_65 : vector<16xf32> to vector<16xf32>
      %swap3A_67 = vector.shape_cast %broadcast_in_dim3A_63 : vector<16xf32> to vector<16xf32>
      tpu.vector_store %arg8[%swap3A_64], %swap3A_67 {strides = array<i32>} : memref<256xf32, #tpu.memory_space<vmem>>, vector<16xf32>,
      %broadcast_in_dim3A_68 = arith.constant 0.000000e+00 : f32
      %broadcast_in_dim3A_69 = vector.broadcast %broadcast_in_dim3A_68 : f32 to vector<16xf32>
      %swap3A_70 = arith.constant 160 : index
      %swap3A_71 = tpu.vector_load %arg8[%swap3A_70] {strides = array<i32>} : memref<256xf32, #tpu.memory_space<vmem>>, vector<16xf32>,
      %swap3A_72 = vector.shape_cast %swap3A_71 : vector<16xf32> to vector<16xf32>
      %swap3A_73 = vector.shape_cast %broadcast_in_dim3A_69 : vector<16xf32> to vector<16xf32>
      tpu.vector_store %arg8[%swap3A_70], %swap3A_73 {strides = array<i32>} : memref<256xf32, #tpu.memory_space<vmem>>, vector<16xf32>,
      %broadcast_in_dim3A_74 = arith.constant 0.000000e+00 : f32
      %broadcast_in_dim3A_75 = vector.broadcast %broadcast_in_dim3A_74 : f32 to vector<16xf32>
      %swap3A_76 = arith.constant 176 : index
      %swap3A_77 = tpu.vector_load %arg8[%swap3A_76] {strides = array<i32>} : memref<256xf32, #tpu.memory_space<vmem>>, vector<16xf32>,
      %swap3A_78 = vector.shape_cast %swap3A_77 : vector<16xf32> to vector<16xf32>
      %swap3A_79 = vector.shape_cast %broadcast_in_dim3A_75 : vector<16xf32> to vector<16xf32>
      tpu.vector_store %arg8[%swap3A_76], %swap3A_79 {strides = array<i32>} : memref<256xf32, #tpu.memory_space<vmem>>, vector<16xf32>,
      %broadcast_in_dim3A_80 = arith.constant 0.000000e+00 : f32
      %broadcast_in_dim3A_81 = vector.broadcast %broadcast_in_dim3A_80 : f32 to vector<16xf32>
      %swap3A_82 = arith.constant 192 : index
      %swap3A_83 = tpu.vector_load %arg8[%swap3A_82] {strides = array<i32>} : memref<256xf32, #tpu.memory_space<vmem>>, vector<16xf32>,
      %swap3A_84 = vector.shape_cast %swap3A_83 : vector<16xf32> to vector<16xf32>
      %swap3A_85 = vector.shape_cast %broadcast_in_dim3A_81 : vector<16xf32> to vector<16xf32>
      tpu.vector_store %arg8[%swap3A_82], %swap3A_85 {strides = array<i32>} : memref<256xf32, #tpu.memory_space<vmem>>, vector<16xf32>,
      %broadcast_in_dim3A_86 = arith.constant 0.000000e+00 : f32
      %broadcast_in_dim3A_87 = vector.broadcast %broadcast_in_dim3A_86 : f32 to vector<16xf32>
      %swap3A_88 = arith.constant 208 : index
      %swap3A_89 = tpu.vector_load %arg8[%swap3A_88] {strides = array<i32>} : memref<256xf32, #tpu.memory_space<vmem>>, vector<16xf32>,
      %swap3A_90 = vector.shape_cast %swap3A_89 : vector<16xf32> to vector<16xf32>
      %swap3A_91 = vector.shape_cast %broadcast_in_dim3A_87 : vector<16xf32> to vector<16xf32>
      tpu.vector_store %arg8[%swap3A_88], %swap3A_91 {strides = array<i32>} : memref<256xf32, #tpu.memory_space<vmem>>, vector<16xf32>,
      %broadcast_in_dim3A_92 = arith.constant 0.000000e+00 : f32
      %broadcast_in_dim3A_93 = vector.broadcast %broadcast_in_dim3A_92 : f32 to vector<16xf32>
      %swap3A_94 = arith.constant 224 : index
      %swap3A_95 = tpu.vector_load %arg8[%swap3A_94] {strides = array<i32>} : memref<256xf32, #tpu.memory_space<vmem>>, vector<16xf32>,
      %swap3A_96 = vector.shape_cast %swap3A_95 : vector<16xf32> to vector<16xf32>
      %swap3A_97 = vector.shape_cast %broadcast_in_dim3A_93 : vector<16xf32> to vector<16xf32>
      tpu.vector_store %arg8[%swap3A_94], %swap3A_97 {strides = array<i32>} : memref<256xf32, #tpu.memory_space<vmem>>, vector<16xf32>,
      %broadcast_in_dim3A_98 = arith.constant 0.000000e+00 : f32
      %broadcast_in_dim3A_99 = vector.broadcast %broadcast_in_dim3A_98 : f32 to vector<16xf32>
      %swap3A_100 = arith.constant 240 : index
      %swap3A_101 = tpu.vector_load %arg8[%swap3A_100] {strides = array<i32>} : memref<256xf32, #tpu.memory_space<vmem>>, vector<16xf32>,
      %swap3A_102 = vector.shape_cast %swap3A_101 : vector<16xf32> to vector<16xf32>
      %swap3A_103 = vector.shape_cast %broadcast_in_dim3A_99 : vector<16xf32> to vector<16xf32>
      tpu.vector_store %arg8[%swap3A_100], %swap3A_103 {strides = array<i32>} : memref<256xf32, #tpu.memory_space<vmem>>, vector<16xf32>,
      %dma_start3A_104 = tpu.memref_slice %arg4[%mul3A_2] : memref<1024xf32, #tpu.memory_space<hbm>> -> memref<256xf32, #tpu.memory_space<hbm>>
      %dma_start3A_105 = tpu.memref_slice %arg4[%mul3A_2] : memref<1024xf32, #tpu.memory_space<hbm>> -> memref<256xf32, #tpu.memory_space<hbm>>
      tpu.enqueue_dma source(%arg8 : memref<256xf32, #tpu.memory_space<vmem>>) target(%dma_start3A_105 : memref<256xf32, #tpu.memory_space<hbm>>) target_semaphore(%arg10 : memref<!tpu.dma_semaphore, #tpu.memory_space<semaphore_mem>>)
      %dma_wait3A = arith.constant 0 : i32
      %dma_wait3A_106 = arith.constant 0 : i32
      %dma_wait3A_107 = tpu.memref_slice %arg2[%arg1, %dma_wait3A, %dma_wait3A_106] : memref<4x256x96xf32, #tpu.memory_space<hbm>> -> memref<1x256x96xf32, #tpu.memory_space<hbm>>
      %dma_wait3A_108 = tpu.memref_squeeze %dma_wait3A_107 : memref<1x256x96xf32, #tpu.memory_space<hbm>> -> memref<256x96xf32, #tpu.memory_space<hbm>>
      %dma_wait3A_109 = arith.constant 0 : i32
      %dma_wait3A_110 = arith.constant 0 : i32
      %dma_wait3A_111 = tpu.memref_slice %arg2[%arg1, %dma_wait3A_109, %dma_wait3A_110] : memref<4x256x96xf32, #tpu.memory_space<hbm>> -> memref<1x256x96xf32, #tpu.memory_space<hbm>>
      %dma_wait3A_112 = tpu.memref_squeeze %dma_wait3A_111 : memref<1x256x96xf32, #tpu.memory_space<hbm>> -> memref<256x96xf32, #tpu.memory_space<hbm>>
      tpu.wait_dma2 semaphore(%arg9 : memref<!tpu.dma_semaphore, #tpu.memory_space<semaphore_mem>>) src(%dma_wait3A_112 : memref<256x96xf32, #tpu.memory_space<hbm>>) dst(%arg5 : memref<256x96xf32, #tpu.memory_space<vmem>>)
      %get3A = arith.constant 0 : i32
      %get3A_113 = arith.index_cast %get3A : i32 to index
      %get3A_114 = arith.constant 0 : index
      %get3A_115 = tpu.vector_load %arg5[%get3A_113, %get3A_114] {strides = array<i32>} : memref<256x96xf32, #tpu.memory_space<vmem>>, vector<1x16xf32>,
      %get3A_116 = vector.shape_cast %get3A_115 : vector<1x16xf32> to vector<16xf32>
      %abs3A = math.absf %get3A_116 : vector<16xf32>
      %get3A_117 = arith.constant 0 : i32
      %get3A_118 = arith.index_cast %get3A_117 : i32 to index
      %get3A_119 = arith.constant 16 : index
      %get3A_120 = tpu.vector_load %arg5[%get3A_118, %get3A_119] {strides = array<i32>} : memref<256x96xf32, #tpu.memory_space<vmem>>, vector<1x16xf32>,
      %get3A_121 = vector.shape_cast %get3A_120 : vector<1x16xf32> to vector<16xf32>
      %abs3A_122 = math.absf %get3A_121 : vector<16xf32>
      %get3A_123 = arith.constant 0 : i32
      %get3A_124 = arith.index_cast %get3A_123 : i32 to index
      %get3A_125 = arith.constant 32 : index
      %get3A_126 = tpu.vector_load %arg5[%get3A_124, %get3A_125] {strides = array<i32>} : memref<256x96xf32, #tpu.memory_space<vmem>>, vector<1x16xf32>,
      %get3A_127 = vector.shape_cast %get3A_126 : vector<1x16xf32> to vector<16xf32>
      %abs3A_128 = math.absf %get3A_127 : vector<16xf32>
      %get3A_129 = arith.constant 0 : i32
      %get3A_130 = arith.index_cast %get3A_129 : i32 to index
      %get3A_131 = arith.constant 48 : index
      %get3A_132 = tpu.vector_load %arg5[%get3A_130, %get3A_131] {strides = array<i32>} : memref<256x96xf32, #tpu.memory_space<vmem>>, vector<1x16xf32>,
      %get3A_133 = vector.shape_cast %get3A_132 : vector<1x16xf32> to vector<16xf32>
      %abs3A_134 = math.absf %get3A_133 : vector<16xf32>
      %get3A_135 = arith.constant 0 : i32
      %get3A_136 = arith.index_cast %get3A_135 : i32 to index
      %get3A_137 = arith.constant 64 : index
      %get3A_138 = tpu.vector_load %arg5[%get3A_136, %get3A_137] {strides = array<i32>} : memref<256x96xf32, #tpu.memory_space<vmem>>, vector<1x16xf32>,
      %get3A_139 = vector.shape_cast %get3A_138 : vector<1x16xf32> to vector<16xf32>
      %abs3A_140 = math.absf %get3A_139 : vector<16xf32>
      %get3A_141 = arith.constant 0 : i32
      %get3A_142 = arith.index_cast %get3A_141 : i32 to index
      %get3A_143 = arith.constant 80 : index
      %get3A_144 = tpu.vector_load %arg5[%get3A_142, %get3A_143] {strides = array<i32>} : memref<256x96xf32, #tpu.memory_space<vmem>>, vector<1x16xf32>,
      %get3A_145 = vector.shape_cast %get3A_144 : vector<1x16xf32> to vector<16xf32>
      %abs3A_146 = math.absf %get3A_145 : vector<16xf32>
      %broadcast_in_dim3A_147 = arith.constant 0 : i32
      %broadcast_in_dim3A_148 = vector.broadcast %broadcast_in_dim3A_147 : i32 to vector<16xi32>
      %scan3A = arith.constant 1 : i32
      %scan3A_149 = arith.constant 255 : i32
      %scan3A_150 = arith.addi %scan3A, %scan3A_149 : i32
      %scan3A_151 = arith.constant 1 : i32
      %scan3A_152:12 = scf.for %scan3A_199 = %scan3A to %scan3A_150 step %scan3A_151 iter_args(%scan3A_200 = %abs3A, %scan3A_201 = %abs3A_122, %scan3A_202 = %abs3A_128, %scan3A_203 = %abs3A_134, %scan3A_204 = %abs3A_140, %scan3A_205 = %abs3A_146, %scan3A_206 = %broadcast_in_dim3A_148, %scan3A_207 = %broadcast_in_dim3A_148, %scan3A_208 = %broadcast_in_dim3A_148, %scan3A_209 = %broadcast_in_dim3A_148, %scan3A_210 = %broadcast_in_dim3A_148, %scan3A_211 = %broadcast_in_dim3A_148) -> (vector<16xf32>, vector<16xf32>, vector<16xf32>, vector<16xf32>, vector<16xf32>, vector<16xf32>, vector<16xi32>, vector<16xi32>, vector<16xi32>, vector<16xi32>, vector<16xi32>, vector<16xi32>)  : i32 {
        %get3A_212 = arith.index_cast %scan3A_199 : i32 to index
        %get3A_213 = arith.constant 0 : index
        %get3A_214 = tpu.vector_load %arg5[%get3A_212, %get3A_213] {strides = array<i32>} : memref<256x96xf32, #tpu.memory_space<vmem>>, vector<1x16xf32>,
        %get3A_215 = vector.shape_cast %get3A_214 : vector<1x16xf32> to vector<16xf32>
        %abs3A_216 = math.absf %get3A_215 : vector<16xf32>
        %gt3A = arith.cmpf ogt, %abs3A_216, %scan3A_200 : vector<16xf32>
        %select_n3A = arith.select %gt3A, %abs3A_216, %scan3A_200 : vector<16xi1>, vector<16xf32>
        %broadcast_in_dim3A_217 = vector.broadcast %scan3A_199 : i32 to vector<16xi32>
        %select_n3A_218 = arith.select %gt3A, %broadcast_in_dim3A_217, %scan3A_206 : vector<16xi1>, vector<16xi32>
        %get3A_219 = arith.index_cast %scan3A_199 : i32 to index
        %get3A_220 = arith.constant 16 : index
        %get3A_221 = tpu.vector_load %arg5[%get3A_219, %get3A_220] {strides = array<i32>} : memref<256x96xf32, #tpu.memory_space<vmem>>, vector<1x16xf32>,
        %get3A_222 = vector.shape_cast %get3A_221 : vector<1x16xf32> to vector<16xf32>
        %abs3A_223 = math.absf %get3A_222 : vector<16xf32>
        %gt3A_224 = arith.cmpf ogt, %abs3A_223, %scan3A_201 : vector<16xf32>
        %select_n3A_225 = arith.select %gt3A_224, %abs3A_223, %scan3A_201 : vector<16xi1>, vector<16xf32>
        %broadcast_in_dim3A_226 = vector.broadcast %scan3A_199 : i32 to vector<16xi32>
        %select_n3A_227 = arith.select %gt3A_224, %broadcast_in_dim3A_226, %scan3A_207 : vector<16xi1>, vector<16xi32>
        %get3A_228 = arith.index_cast %scan3A_199 : i32 to index
        %get3A_229 = arith.constant 32 : index
        %get3A_230 = tpu.vector_load %arg5[%get3A_228, %get3A_229] {strides = array<i32>} : memref<256x96xf32, #tpu.memory_space<vmem>>, vector<1x16xf32>,
        %get3A_231 = vector.shape_cast %get3A_230 : vector<1x16xf32> to vector<16xf32>
        %abs3A_232 = math.absf %get3A_231 : vector<16xf32>
        %gt3A_233 = arith.cmpf ogt, %abs3A_232, %scan3A_202 : vector<16xf32>
        %select_n3A_234 = arith.select %gt3A_233, %abs3A_232, %scan3A_202 : vector<16xi1>, vector<16xf32>
        %broadcast_in_dim3A_235 = vector.broadcast %scan3A_199 : i32 to vector<16xi32>
        %select_n3A_236 = arith.select %gt3A_233, %broadcast_in_dim3A_235, %scan3A_208 : vector<16xi1>, vector<16xi32>
        %get3A_237 = arith.index_cast %scan3A_199 : i32 to index
        %get3A_238 = arith.constant 48 : index
        %get3A_239 = tpu.vector_load %arg5[%get3A_237, %get3A_238] {strides = array<i32>} : memref<256x96xf32, #tpu.memory_space<vmem>>, vector<1x16xf32>,
        %get3A_240 = vector.shape_cast %get3A_239 : vector<1x16xf32> to vector<16xf32>
        %abs3A_241 = math.absf %get3A_240 : vector<16xf32>
        %gt3A_242 = arith.cmpf ogt, %abs3A_241, %scan3A_203 : vector<16xf32>
        %select_n3A_243 = arith.select %gt3A_242, %abs3A_241, %scan3A_203 : vector<16xi1>, vector<16xf32>
        %broadcast_in_dim3A_244 = vector.broadcast %scan3A_199 : i32 to vector<16xi32>
        %select_n3A_245 = arith.select %gt3A_242, %broadcast_in_dim3A_244, %scan3A_209 : vector<16xi1>, vector<16xi32>
        %get3A_246 = arith.index_cast %scan3A_199 : i32 to index
        %get3A_247 = arith.constant 64 : index
        %get3A_248 = tpu.vector_load %arg5[%get3A_246, %get3A_247] {strides = array<i32>} : memref<256x96xf32, #tpu.memory_space<vmem>>, vector<1x16xf32>,
        %get3A_249 = vector.shape_cast %get3A_248 : vector<1x16xf32> to vector<16xf32>
        %abs3A_250 = math.absf %get3A_249 : vector<16xf32>
        %gt3A_251 = arith.cmpf ogt, %abs3A_250, %scan3A_204 : vector<16xf32>
        %select_n3A_252 = arith.select %gt3A_251, %abs3A_250, %scan3A_204 : vector<16xi1>, vector<16xf32>
        %broadcast_in_dim3A_253 = vector.broadcast %scan3A_199 : i32 to vector<16xi32>
        %select_n3A_254 = arith.select %gt3A_251, %broadcast_in_dim3A_253, %scan3A_210 : vector<16xi1>, vector<16xi32>
        %get3A_255 = arith.index_cast %scan3A_199 : i32 to index
        %get3A_256 = arith.constant 80 : index
        %get3A_257 = tpu.vector_load %arg5[%get3A_255, %get3A_256] {strides = array<i32>} : memref<256x96xf32, #tpu.memory_space<vmem>>, vector<1x16xf32>,
        %get3A_258 = vector.shape_cast %get3A_257 : vector<1x16xf32> to vector<16xf32>
        %abs3A_259 = math.absf %get3A_258 : vector<16xf32>
        %gt3A_260 = arith.cmpf ogt, %abs3A_259, %scan3A_205 : vector<16xf32>
        %select_n3A_261 = arith.select %gt3A_260, %abs3A_259, %scan3A_205 : vector<16xi1>, vector<16xf32>
        %broadcast_in_dim3A_262 = vector.broadcast %scan3A_199 : i32 to vector<16xi32>
        %select_n3A_263 = arith.select %gt3A_260, %broadcast_in_dim3A_262, %scan3A_211 : vector<16xi1>, vector<16xi32>
        scf.yield %select_n3A, %select_n3A_225, %select_n3A_234, %select_n3A_243, %select_n3A_252, %select_n3A_261, %select_n3A_218, %select_n3A_227, %select_n3A_236, %select_n3A_245, %select_n3A_254, %select_n3A_263 : vector<16xf32>, vector<16xf32>, vector<16xf32>, vector<16xf32>, vector<16xf32>, vector<16xf32>, vector<16xi32>, vector<16xi32>, vector<16xi32>, vector<16xi32>, vector<16xi32>, vector<16xi32>
      }
      %scan3A_153 = arith.constant 255 : i32
      %add3A = vector.broadcast %mul3A_2 : i32 to vector<16xi32>
      %add3A_154 = arith.addi %scan3A_152#6, %add3A : vector<16xi32>
      %swap3A_155 = arith.constant 0 : index
      %swap3A_156 = tpu.vector_load %arg6[%swap3A_155] {strides = array<i32>} : memref<96xi32, #tpu.memory_space<vmem>>, vector<16xi32>,
      %swap3A_157 = vector.shape_cast %swap3A_156 : vector<16xi32> to vector<16xi32>
      %swap3A_158 = vector.shape_cast %add3A_154 : vector<16xi32> to vector<16xi32>
      tpu.vector_store %arg6[%swap3A_155], %swap3A_158 {strides = array<i32>} : memref<96xi32, #tpu.memory_space<vmem>>, vector<16xi32>,
      %add3A_159 = vector.broadcast %mul3A_2 : i32 to vector<16xi32>
      %add3A_160 = arith.addi %scan3A_152#7, %add3A_159 : vector<16xi32>
      %swap3A_161 = arith.constant 16 : index
      %swap3A_162 = tpu.vector_load %arg6[%swap3A_161] {strides = array<i32>} : memref<96xi32, #tpu.memory_space<vmem>>, vector<16xi32>,
      %swap3A_163 = vector.shape_cast %swap3A_162 : vector<16xi32> to vector<16xi32>
      %swap3A_164 = vector.shape_cast %add3A_160 : vector<16xi32> to vector<16xi32>
      tpu.vector_store %arg6[%swap3A_161], %swap3A_164 {strides = array<i32>} : memref<96xi32, #tpu.memory_space<vmem>>, vector<16xi32>,
      %add3A_165 = vector.broadcast %mul3A_2 : i32 to vector<16xi32>
      %add3A_166 = arith.addi %scan3A_152#8, %add3A_165 : vector<16xi32>
      %swap3A_167 = arith.constant 32 : index
      %swap3A_168 = tpu.vector_load %arg6[%swap3A_167] {strides = array<i32>} : memref<96xi32, #tpu.memory_space<vmem>>, vector<16xi32>,
      %swap3A_169 = vector.shape_cast %swap3A_168 : vector<16xi32> to vector<16xi32>
      %swap3A_170 = vector.shape_cast %add3A_166 : vector<16xi32> to vector<16xi32>
      tpu.vector_store %arg6[%swap3A_167], %swap3A_170 {strides = array<i32>} : memref<96xi32, #tpu.memory_space<vmem>>, vector<16xi32>,
      %add3A_171 = vector.broadcast %mul3A_2 : i32 to vector<16xi32>
      %add3A_172 = arith.addi %scan3A_152#9, %add3A_171 : vector<16xi32>
      %swap3A_173 = arith.constant 48 : index
      %swap3A_174 = tpu.vector_load %arg6[%swap3A_173] {strides = array<i32>} : memref<96xi32, #tpu.memory_space<vmem>>, vector<16xi32>,
      %swap3A_175 = vector.shape_cast %swap3A_174 : vector<16xi32> to vector<16xi32>
      %swap3A_176 = vector.shape_cast %add3A_172 : vector<16xi32> to vector<16xi32>
      tpu.vector_store %arg6[%swap3A_173], %swap3A_176 {strides = array<i32>} : memref<96xi32, #tpu.memory_space<vmem>>, vector<16xi32>,
      %add3A_177 = vector.broadcast %mul3A_2 : i32 to vector<16xi32>
      %add3A_178 = arith.addi %scan3A_152#10, %add3A_177 : vector<16xi32>
      %swap3A_179 = arith.constant 64 : index
      %swap3A_180 = tpu.vector_load %arg6[%swap3A_179] {strides = array<i32>} : memref<96xi32, #tpu.memory_space<vmem>>, vector<16xi32>,
      %swap3A_181 = vector.shape_cast %swap3A_180 : vector<16xi32> to vector<16xi32>
      %swap3A_182 = vector.shape_cast %add3A_178 : vector<16xi32> to vector<16xi32>
      tpu.vector_store %arg6[%swap3A_179], %swap3A_182 {strides = array<i32>} : memref<96xi32, #tpu.memory_space<vmem>>, vector<16xi32>,
      %add3A_183 = vector.broadcast %mul3A_2 : i32 to vector<16xi32>
      %add3A_184 = arith.addi %scan3A_152#11, %add3A_183 : vector<16xi32>
      %swap3A_185 = arith.constant 80 : index
      %swap3A_186 = tpu.vector_load %arg6[%swap3A_185] {strides = array<i32>} : memref<96xi32, #tpu.memory_space<vmem>>, vector<16xi32>,
      %swap3A_187 = vector.shape_cast %swap3A_186 : vector<16xi32> to vector<16xi32>
      %swap3A_188 = vector.shape_cast %add3A_184 : vector<16xi32> to vector<16xi32>
      tpu.vector_store %arg6[%swap3A_185], %swap3A_188 {strides = array<i32>} : memref<96xi32, #tpu.memory_space<vmem>>, vector<16xi32>,
      %dma_start3A_189 = arith.constant 0 : i32
      %dma_start3A_190 = tpu.memref_slice %arg3[%dma_start3A_189] : memref<1024xf32, #tpu.memory_space<hbm>> -> memref<1024xf32, #tpu.memory_space<hbm>>
      tpu.enqueue_indirect_dma source(%dma_start3A_190 : memref<1024xf32, #tpu.memory_space<hbm>>) target(%arg7 : memref<96xf32, #tpu.memory_space<vmem>>) offsets(%arg6 : memref<96xi32, #tpu.memory_space<vmem>>) semaphore(%arg11 : memref<!tpu.dma_semaphore, #tpu.memory_space<semaphore_mem>>)
      %dma_wait3A_191 = arith.constant 0 : i32
      %dma_wait3A_192 = tpu.memref_slice %arg3[%dma_wait3A_191] : memref<1024xf32, #tpu.memory_space<hbm>> -> memref<1024xf32, #tpu.memory_space<hbm>>
      tpu.wait_indirect_dma semaphore(%arg11 : memref<!tpu.dma_semaphore, #tpu.memory_space<semaphore_mem>>) src(%dma_wait3A_192 : memref<1024xf32, #tpu.memory_space<hbm>>) dst(%arg7 : memref<96xf32, #tpu.memory_space<vmem>>)
      %dma_wait3A_193 = tpu.memref_slice %arg4[%mul3A_2] : memref<1024xf32, #tpu.memory_space<hbm>> -> memref<256xf32, #tpu.memory_space<hbm>>
      %dma_wait3A_194 = tpu.memref_slice %arg4[%mul3A_2] : memref<1024xf32, #tpu.memory_space<hbm>> -> memref<256xf32, #tpu.memory_space<hbm>>
      tpu.wait_dma2 semaphore(%arg10 : memref<!tpu.dma_semaphore, #tpu.memory_space<semaphore_mem>>) src(%arg8 : memref<256xf32, #tpu.memory_space<vmem>>) dst(%dma_wait3A_194 : memref<256xf32, #tpu.memory_space<hbm>>)
      %dma_start3A_195 = arith.constant 0 : i32
      %dma_start3A_196 = tpu.memref_slice %arg4[%dma_start3A_195] : memref<1024xf32, #tpu.memory_space<hbm>> -> memref<1024xf32, #tpu.memory_space<hbm>>
      tpu.enqueue_indirect_dma source(%arg7 : memref<96xf32, #tpu.memory_space<vmem>>) target(%dma_start3A_196 : memref<1024xf32, #tpu.memory_space<hbm>>) offsets(%arg6 : memref<96xi32, #tpu.memory_space<vmem>>) semaphore(%arg9 : memref<!tpu.dma_semaphore, #tpu.memory_space<semaphore_mem>>)
      %dma_wait3A_197 = arith.constant 0 : i32
      %dma_wait3A_198 = tpu.memref_slice %arg4[%dma_wait3A_197] : memref<1024xf32, #tpu.memory_space<hbm>> -> memref<1024xf32, #tpu.memory_space<hbm>>
      tpu.wait_indirect_dma semaphore(%arg9 : memref<!tpu.dma_semaphore, #tpu.memory_space<semaphore_mem>>) src(%arg7 : memref<96xf32, #tpu.memory_space<vmem>>) dst(%dma_wait3A_198 : memref<1024xf32, #tpu.memory_space<hbm>>)
    } else {
    }
    return
  }
}

module attributes {stable_mosaic.version = 14 : i64} {
  func.func @_zero_body(%arg0: i32, %arg1: i32, %arg2: memref<1x24x384x384xf32, #tpu.memory_space<vmem>>) attributes {dimension_semantics = [#tpu.dimension_semantics<parallel>, #tpu.dimension_semantics<parallel>], iteration_bounds = array<i64: 4, 4>, scalar_prefetch = 0 : i64, scratch_operands = 0 : i64, tpu.core_type = #tpu.core_type<tc>, window_params = [{transform_indices = @transform_0, window_bounds = array<i64: 1, 24, 384, 384>}]} {
    %broadcast_in_dim3A = arith.constant 0.000000e+00 : f32
    %broadcast_in_dim3A_0 = vector.broadcast %broadcast_in_dim3A : f32 to vector<1x24x384x384xf32>
    %swap3A = arith.constant 0 : index
    %swap3A_1 = arith.constant 0 : index
    %swap3A_2 = arith.constant 0 : index
    %swap3A_3 = arith.constant 0 : index
    %swap3A_4 = vector.load %arg2[%swap3A, %swap3A_1, %swap3A_2, %swap3A_3] : memref<1x24x384x384xf32, #tpu.memory_space<vmem>>, vector<1x24x384x384xf32>
    tpu.vector_store %arg2[%swap3A, %swap3A_1, %swap3A_2, %swap3A_3], %broadcast_in_dim3A_0 {strides = array<i32>} : memref<1x24x384x384xf32, #tpu.memory_space<vmem>>, vector<1x24x384x384xf32>,
    return
  }
  func.func @transform_0(%arg0: i32, %arg1: i32) -> (i32, i32, i32, i32) {
    %c0_i32 = arith.constant 0 : i32
    %c0_i32_0 = arith.constant 0 : i32
    %c0_i32_1 = arith.constant 0 : i32
    return %arg0, %arg1, %c0_i32, %c0_i32_0 : i32, i32, i32, i32
  }
}

module attributes {stable_mosaic.version = 14 : i64} {
  func.func @_stitch_body(%arg0: i32, %arg1: memref<4x96x384x384xf32, #tpu.memory_space<any>>, %arg2: memref<1x16x16xf32, #tpu.memory_space<vmem>>, %arg3: memref<1x1x16x384xf32, #tpu.memory_space<vmem>>) attributes {dimension_semantics = [#tpu.dimension_semantics<arbitrary>], iteration_bounds = array<i64: 4>, scalar_prefetch = 0 : i64, scratch_operands = 0 : i64, tpu.core_type = #tpu.core_type<tc>, window_params = [{}, {transform_indices = @transform_1, window_bounds = array<i64: 1, 16, 16>}, {transform_indices = @transform_2, window_bounds = array<i64: 1, 1, 16, 384>}]} {
    %broadcast_in_dim3A = arith.constant 0.000000e+00 : f32
    %broadcast_in_dim3A_0 = vector.broadcast %broadcast_in_dim3A : f32 to vector<1x1x16x384xf32>
    %swap3A = arith.constant 0 : index
    %swap3A_1 = arith.constant 0 : index
    %swap3A_2 = arith.constant 0 : index
    %swap3A_3 = arith.constant 0 : index
    %swap3A_4 = vector.load %arg3[%swap3A, %swap3A_1, %swap3A_2, %swap3A_3] : memref<1x1x16x384xf32, #tpu.memory_space<vmem>>, vector<1x1x16x384xf32>
    tpu.vector_store %arg3[%swap3A, %swap3A_1, %swap3A_2, %swap3A_3], %broadcast_in_dim3A_0 {strides = array<i32>} : memref<1x1x16x384xf32, #tpu.memory_space<vmem>>, vector<1x1x16x384xf32>,
    %get3A = arith.constant 0 : index
    %get3A_5 = arith.constant 0 : index
    %get3A_6 = arith.constant 0 : index
    %get3A_7 = vector.load %arg2[%get3A, %get3A_5, %get3A_6] : memref<1x16x16xf32, #tpu.memory_space<vmem>>, vector<1x16x16xf32>
    %get3A_8 = vector.shape_cast %get3A_7 : vector<1x16x16xf32> to vector<16x16xf32>
    %swap3A_9 = arith.constant 0 : index
    %swap3A_10 = arith.constant 0 : index
    %swap3A_11 = arith.constant 0 : index
    %swap3A_12 = arith.constant 0 : index
    %swap3A_13 = vector.load %arg3[%swap3A_9, %swap3A_10, %swap3A_11, %swap3A_12] : memref<1x1x16x384xf32, #tpu.memory_space<vmem>>, vector<1x1x16x16xf32>
    %swap3A_14 = vector.shape_cast %swap3A_13 : vector<1x1x16x16xf32> to vector<16x16xf32>
    %swap3A_15 = vector.shape_cast %get3A_8 : vector<16x16xf32> to vector<1x1x16x16xf32>
    tpu.vector_store %arg3[%swap3A_9, %swap3A_10, %swap3A_11, %swap3A_12], %swap3A_15 {strides = array<i32>} : memref<1x1x16x384xf32, #tpu.memory_space<vmem>>, vector<1x1x16x16xf32>,
    return
  }
  func.func @transform_1(%arg0: i32) -> (i32, i32, i32) {
    %c0_i32 = arith.constant 0 : i32
    %c0_i32_0 = arith.constant 0 : i32
    %c0_i32_1 = arith.constant 0 : i32
    return %arg0, %c0_i32, %c0_i32_0 : i32, i32, i32
  }
  func.func @transform_2(%arg0: i32) -> (i32, i32, i32, i32) {
    %c0_i32 = arith.constant 0 : i32
    %c0_i32_0 = arith.constant 0 : i32
    %c0_i32_1 = arith.constant 0 : i32
    %c0_i32_2 = arith.constant 0 : i32
    return %arg0, %c0_i32, %c0_i32_0, %c0_i32_1 : i32, i32, i32, i32
  }
}

</mosaic_0001>

<sc_bundles>
// kernel: kernel.5.cloned.1.call-start
scs
__scs_entry_jumppad:
0x0: {  	(pc) =	sbr.rel $0x88, $3  }
0x1: {  	(tag) =	ssettag $0x0;
	lr =	simm.s32 $0x1  }
0x2: {  	[smem:$0x3FA0] =	sst lr;
	_ =	strace $0xD0000000  }
0x3: {  	_ = 	snop  }
0x4: {  	_ = 	snop  }
0x5: {  	_ = 	snop  }
0x6: {  	_ = 	snop  }
0x7: {  	_ = 	snop  }
__scs_overlays_trampoline_lowered:
0x8: {  	[smem:$0x3FAF] =	sst s0  }
0x9: {  	[smem:$0x3FB0] =	sst s1  }
0xa: {  	[smem:$0x3FB1] =	sst s2  }
0xb: {  	[smem:$0x3FB2] =	sst s3  }
0xc: {  	[smem:$0x3FB3] =	sst s4  }
0xd: {  	[smem:$0x3FB4] =	sst s5  }
0xe: {  	[smem:$0x3FB5] =	sst s6  }
0xf: {  	[smem:$0x3FB6] =	sst s7  }
0x10: {  	[smem:$0x3FB7] =	sst s8  }
0x11: {  	[smem:$0x3FB8] =	sst s9;
	s0 =	simm.s32 @!p0 $0x0  }
0x12: {  	s1 =	sld [smem:$0x3F9E];
	s0 =	simm.s32 @p0 $0x1  }
0x13: {  	[smem:$0x3FB9] =	sst s0;
	s0 =	simm.s32 @!p1 $0x0  }
0x14: {  	s2 =	sld [smem:$0x3F9D];
	s0 =	simm.s32 @p1 $0x1  }
0x15: {  	[smem:$0x3FBA] =	sst s0;
	s0 =	simm.s32 @!p2 $0x0  }
0x16: {  	s3 =	sld [smem:$0x3FDB];
	s0 =	simm.s32 @p2 $0x1  }
0x17: {  	s4 =	simm.s32 $0x1BF5;
	[smem:$0x3FBC] =	sst s0  }
0x18: {  	s0 =	sld [smem:$0x3F9F];
	_ =	swait.ge [sflag:s4], $0x0  }
0x19: {  	s7 =	sld [smem:$0x3FA0]  }
0x1a: {  	s8 =	sadd.s32 $0xFFFFE003, lr  }
0x1b: {  	s9 =	sadd.s32 $0xFFFFFEF7, lr;
	s5 =	simm.s32 $0xFFFFFFFF;
	p2 =	slt.u32 s8, $0xFFFFF086  }
0x1c: {  	p1 =	slt.u32 s9, $0xF7A;
	s5 =	simm.s32 @!p2 $0x0  }
0x1d: {  	s5 =	simm.s32 @p1 $0x1;
	p0 =	seq.s32 s7, s2  }
0x1e: {  	s7 =	smul.u32 @!p0 $0xF7A, s2;
	p2 =	seq.s32 @!p0 s5, $0x0  }
0x1f: {  	s9 =	smul.u32 $0xF7A, s1;
	s8 =	simm.s32 @!p0 $0x1BF5;
	p2 =	por !p2, p0  }
0x20: {  	[sflag:s8] =	ssyncset.s32 @!p0 $0xFFFFF086;
	s6 =	sadd.s32 @!p0 s3, s7;
	s7 =	simm.s32 @!p0 $0x108  }
0x21: {  	s3 =	sadd.s32 s3, s9;
	s6 =	sadd.s32 @!p0 $0x88, s6;
	s7 =	simm.s32 @p2 $0x1082  }
0x22: {  	[simem:s7], [sflag:s8] =	dma.local @!p0 [hbm:s6], $0xF7A  }
0x23: {  	s9 =	sor.u32 $0xD0000000, s2;
	s6 =	simm.s32 $0x108;
	_ =	swait.ge @!p0 [sflag:s8], $0x0  }
0x24: {  	s3 =	sadd.s32 $0x88, s3;
	s6 =	simm.s32 @!p1 $0x1082;
	[sflag:s4] =	ssyncset.s32 $0xFFFFF086  }
0x25: {  	[simem:s6], [sflag:s4] =	dma.local [hbm:s3], $0xF7A  }
0x26: {  	[smem:$0x3FA0] =	sst s1;
	(tag) =	ssettag s2;
	_ =	strace s9  }
0x27: {  	s1 =	sld [smem:$0x3FB0]  }
0x28: {  	s2 =	sld [smem:$0x3FB1]  }
0x29: {  	s4 =	sld [smem:$0x3FB3]  }
0x2a: {  	p0 =	seq.s32 s5, $0x0;
	s5 =	sld [smem:$0x3FB4]  }
0x2b: {  	s6 =	sld [smem:$0x3FB5]  }
0x2c: {  	s7 =	sld [smem:$0x3FB6]  }
0x2d: {  	s3 =	simm.s32 $0x108;
	s8 =	sld [smem:$0x3FB7]  }
0x2e: {  	s3 =	simm.s32 @!p0 $0x1082;
	s9 =	sld [smem:$0x3FB8]  }
0x2f: {  	lr =	sadd.s32 s0, s3;
	s0 =	sld [smem:$0x3FAF]  }
0x30: {  	s3 =	sld [smem:$0x3FB2]  }
0x31: {  	[smem:$0x3FBB] =	sst s10  }
0x32: {  	s10 =	sld [smem:$0x3FB9];
	_ =	sdelay $0x3  }
0x33: {  	p0 =	seq.s32 s10, $0x1;
	s10 =	sld [smem:$0x3FBB];
	_ =	sdelay $0x3  }
0x34: {  	[smem:$0x3FBB] =	sst s10  }
0x35: {  	s10 =	sld [smem:$0x3FBA];
	_ =	sdelay $0x3  }
0x36: {  	p1 =	seq.s32 s10, $0x1;
	s10 =	sld [smem:$0x3FBB];
	_ =	sdelay $0x3  }
0x37: {  	[smem:$0x3FBB] =	sst s10  }
0x38: {  	s10 =	sld [smem:$0x3FBC]  }
0x39: {  	_ = 	snop;
	(pc) =	sbr.ind lr, $3  }
0x3a: {  	_ = 	snop  }
0x3b: {  	_ = 	snop  }
0x3c: {  	p2 =	seq.s32 s10, $0x1;
	s10 =	sld [smem:$0x3FBB]  }
0x3d: {  	_ =	shalt  }
0x3e: {  	_ =	shalt  }
0x3f: {  	_ =	shalt  }
0x40: {  	_ =	shalt  }
0x41: {  	_ =	shalt  }
0x42: {  	_ =	shalt  }
0x43: {  	_ =	shalt  }
0x44: {  	_ =	shalt  }
0x45: {  	_ =	shalt  }
0x46: {  	_ =	shalt  }
0x47: {  	_ =	shalt  }
0x48: {  	_ =	shalt  }
0x49: {  	_ =	shalt  }
0x4a: {  	_ =	shalt  }
0x4b: {  	_ =	shalt  }
0x4c: {  	_ =	shalt  }
0x4d: {  	_ =	shalt  }
0x4e: {  	_ =	shalt  }
0x4f: {  	_ =	shalt  }
0x50: {  	_ =	shalt  }
0x51: {  	_ =	shalt  }
0x52: {  	_ =	shalt  }
0x53: {  	_ =	shalt  }
0x54: {  	_ =	shalt  }
0x55: {  	_ =	shalt  }
0x56: {  	_ =	shalt  }
0x57: {  	_ =	shalt  }
0x58: {  	_ =	shalt  }
0x59: {  	_ =	shalt  }
0x5a: {  	_ =	shalt  }
0x5b: {  	_ =	shalt  }
0x5c: {  	_ =	shalt  }
0x5d: {  	_ =	shalt  }
0x5e: {  	_ =	shalt  }
0x5f: {  	_ =	shalt  }
0x60: {  	_ =	shalt  }
0x61: {  	_ =	shalt  }
0x62: {  	_ =	shalt  }
0x63: {  	_ =	shalt  }
0x64: {  	_ =	shalt  }
0x65: {  	_ =	shalt  }
0x66: {  	_ =	shalt  }
0x67: {  	_ =	shalt  }
0x68: {  	_ =	shalt  }
0x69: {  	_ =	shalt  }
0x6a: {  	_ =	shalt  }
0x6b: {  	_ =	shalt  }
0x6c: {  	_ =	shalt  }
0x6d: {  	_ =	shalt  }
0x6e: {  	_ =	shalt  }
0x6f: {  	_ =	shalt  }
0x70: {  	_ =	shalt  }
0x71: {  	_ =	shalt  }
0x72: {  	_ =	shalt  }
0x73: {  	_ =	shalt  }
0x74: {  	_ =	shalt  }
0x75: {  	_ =	shalt  }
0x76: {  	_ =	shalt  }
0x77: {  	_ =	shalt  }
0x78: {  	_ =	shalt  }
0x79: {  	_ =	shalt  }
0x7a: {  	_ =	shalt  }
0x7b: {  	_ =	shalt  }
0x7c: {  	_ =	shalt  }
0x7d: {  	_ =	shalt  }
0x7e: {  	_ =	shalt  }
0x7f: {  	_ =	shalt  }
0x80: {  	_ =	shalt  }
0x81: {  	_ =	shalt  }
0x82: {  	_ =	shalt  }
0x83: {  	_ =	shalt  }
0x84: {  	_ =	shalt  }
0x85: {  	_ =	shalt  }
0x86: {  	_ =	shalt  }
0x87: {  	_ =	shalt  }
.Lfunc_end0:
.L_simem_size_0:
called_computation_lowered:
.L_overlay_start_0:
0x88: {  	s0 =	sld [smem:$0x3FD9]  }
0x89: {  	s1 =	sld [smem:$0x3FFE];
	_ =	sdelay $0x3  }
0x8a: {  	s0 =	sadd.s32 s1, s0  }
0x8b: {  	[smem:$0x3FC7] =	sst s0  }
0x8c: {  	_ = 	snop  }
0x8d: {  	(tm) =	ssettm $0x1  }
0x8e: {  	s15 =	sld [smem:$0x3FFB];
	_ =	sdelay $0x3  }
0x8f: {  	_ =	strace s15  }
0x90: {  	s0 =	sld [smem:$0x3FFC];
	_ =	sdelay $0x3  }
0x91: {  	_ =	strace s0  }
0x92: {  	s0 =	sld [smem:$0x3FFD];
	_ =	sdelay $0x3  }
0x93: {  	_ =	strace s0  }
0x94: {  	_ =	strace $0x8FFFFFFF  }
0x95: {  	s16 =	sld [smem:$0x3FDB];
	_ =	sdelay $0x1  }
0x96: {  	s17 =	simm.s32 $_scs_section_size  }
0x97: {  	s2 =	simm.s32 $_size__tile_overlayer_lowered;
	s3 =	simm.s32 $_tile_overlayer_lowered  }
0x98: {  	s20 =	simm.s32 $0x1BFF;
	s19 =	sshll.u32 s3, $0x1;
	s0 =	sadd.s32 s17, s16  }
0x99: {  	s4 =	simm.s32 $0x0;
	s18 =	sshll.u32 s2, $0x1;
	s2 =	sadd.s32 s19, s0  }
0x9a: {  	[timem:s4], [sflag:s20] =	dma.local [hbm:s2], s18  }
0x9b: {  	_ =	swait.ge [sflag:s20], s18  }
0x9c: {  	s1 =	ssub.s32 $0x0, s18;
	[sflag:s20] =	ssyncset.done $0x0  }
0x9d: {  	[sflag:s20] =	ssyncadd.s32 s1;
	_ =	sdelay $0x1  }
0x9e: {  	s21 =	simm.s32 $0x1B8B  }
0x9f: {  	_ =	swait.ge [sflag:s21], $0x1  }
0xa0: {  	[sflag:s21] =	ssyncset.done $0x0  }
0xa1: {  	s23 =	simm.s32 $0x1B8E;
	s22 =	sld [smem:$0x3FFE];
	[sflag:s21] =	ssyncadd.s32 $0xFFFFFFFF  }
0xa2: {  	s24 =	simm.s32 $execute0_lowered;
	[smem:$0x3FD2] =	sst s23  }
0xa3: {  	s2 =	sshll.u32 s24, $0x1;
	_ =	strace $0x80000046;
	[dreg:$0x1] =	wrdreg $0xFFFFFFFF  }
0xa4: {  	s25 =	simm.s32 $_size_execute0_lowered;
	s0 =	sadd.s32 s0, s2;
	[dreg:$0x0] =	wrdreg $0x0  }
0xa5: {  	s2 =	sshll.u32 s25, $0x1;
	[dreg:$0x2] =	wrdreg s0  }
0xa6: {  	[dreg:$0x3] =	wrdreg s2  }
0xa7: {  	[dreg:$0x4] =	wrdreg $0xC0  }
0xa8: {  	_ =	task [dreg:s4], $0x5FFFF  }
0xa9: {  	[dreg:$0x1] =	wrdreg $0xFFFFFFFF  }
0xaa: {  	[dreg:$0x0] =	wrdreg $0x60  }
0xab: {  	[dreg:$0x2] =	wrdreg s22  }
0xac: {  	[dreg:$0x3] =	wrdreg $0x9  }
0xad: {  	_ =	task.clear_ibuf [dreg:s4], $0x4FFFF;
	_ =	strace $0x90000046  }
0xae: {  	s26 =	simm.s32 $0x9;
	_ =	strace $0x80000048  }
0xaf: {  	_ =	swait.ge [sflag:s26], $0x1  }
0xb0: {  	[sflag:s26] =	ssyncadd.s32 $0xFFFFFFFF  }
0xb1: {  	_ =	strace $0x90000048  }
0xb2: {  	_ =	sfence  }
0xb3: {  	s28 =	sld [smem:$0x0];
	_ =	sdelay $0x1  }
0xb4: {  	s29 =	srdreg.scid  }
0xb5: {  	s30 =	sshll.u32 s29, $0xD;
	s31 =	sshrl.u32 s29, $0x2  }
0xb6: {  	s1 =	sand.u32 $0x1, s29;
	s2 =	sand.u32 $0x4000, s30;
	s0 =	sadd.s32 s31, s28  }
0xb7: {  	s1 =	sor.u32 s2, s1;
	s0 =	sshll.u32 s0, $0x11  }
0xb8: {  	s0 =	sor.u32 s0, s1  }
0xb9: {  	s0 =	sadd.s32 $0x8F2B, s0  }
0xba: {  	[sflag:s0] =	ssyncadd.remote.s32 $0x1  }
0xbb: {  	_ =	sfence.sel $0xFFFF  }
0xbc: {  	[dreg:$0x0] =	wrdreg $0xFFFFFFFF;
	(pc) =	sbr.abs _section_cstart, $3  }
0xbd: {  	[dreg:$0x1] =	wrdreg $0xFFFFFFFF  }
0xbe: {  	_ =	task.clear_ibuf [dreg:s4], $0x2FFFF;
	_ =	strace $0x9FFFFFFF  }
0xbf: {  	(tm) =	ssettm $0x7FFFFFFF  }
tec
execute0_lowered:
.L_overlay_start_1:
0x0: {  	(tag) =	ssettag $0x1  }
0x1: {  	s1 =	stileid.u32  }
0x2: {  	p0 =	sgt.u32 s1, $0x3  }
.Ltmp0:
0x3: {  	_ = 	snop;
	(pc) =	sbr.rel @p0 .LBB2_4-.Ltmp0, $4  }
0x4: {  	_ = 	snop  }
0x5: {  	s4 =	rddreg [dreg:$0x0];
	s3 =	simm.s32 $0x0  }
0x6: {  	[smem:$0x7FF] =	sst s3  }
0x7: {  	s0 =	rddreg [dreg:$0x1];
	_ =	strace $0x80000047  }
0x8: {  	s2 =	sadd.s32 $0x200, s4;
	s5 =	sshll.u32 s1, $0xC  }
0x9: {  	s2 =	sadd.s32 s2, s5  }
0xa: {  	v0 =	vimm.f32 $0.0e+00;
	[tilespmem:s3], [sflag:$0x1] =	stream.linear.gather [hbm4b:s2+s3], $0x8000, $0x38;
	[tilespmem:$0x8200] =	vst v63  }
0xb: {  	[tilespmem:$0x8100] =	vst v0  }
0xc: {  	[tilespmem:$0x8110] =	vst v0  }
0xd: {  	[tilespmem:$0x8120] =	vst v0  }
0xe: {  	[tilespmem:$0x8130] =	vst v0  }
0xf: {  	[tilespmem:$0x8140] =	vst v0  }
0x10: {  	[tilespmem:$0x8150] =	vst v0  }
0x11: {  	[tilespmem:$0x8160] =	vst v0  }
0x12: {  	[tilespmem:$0x8170] =	vst v0  }
0x13: {  	[tilespmem:$0x8180] =	vst v0  }
0x14: {  	[tilespmem:$0x8190] =	vst v0  }
0x15: {  	[tilespmem:$0x81A0] =	vst v0  }
0x16: {  	[tilespmem:$0x81B0] =	vst v0  }
0x17: {  	[tilespmem:$0x81C0] =	vst v0  }
0x18: {  	[tilespmem:$0x81D0] =	vst v0  }
0x19: {  	s28 =	sshll.u32 s1, $0x5;
	s2 =	sadd.s32 $0x4400, s4;
	[tilespmem:$0x81E0] =	vst v0  }
0x1a: {  	s6 =	simm.s32 $0x8100;
	s5 =	sadd.s32 s2, s28;
	[tilespmem:$0x81F0] =	vst v0  }
0x1b: {  	[hbm4b:s5+s3] =	stream.linear.scatter [tilespmem:s6], [sflag:$0x2], $0x100, $0x38;
	[tilespmem:$0x8200] =	vst v63  }
0x1c: {  	s3 =	simm.s32 $0x1  }
0x1d: {  	_ =	swait.ge [sflag:s3], $0x8000  }
0x1e: {  	[sflag:s3] =	ssyncset.done $0x0  }
0x1f: {  	[sflag:s3] =	ssyncadd.s32 $0xFFFF8000  }
0x20: {  	v1 =	vld [tilespmem:$0x0]  }
0x21: {  	v2 =	vld [tilespmem:$0x10]  }
0x22: {  	v3 =	vld [tilespmem:$0x20]  }
0x23: {  	v4 =	vld [tilespmem:$0x30]  }
0x24: {  	v5 =	vld [tilespmem:$0x40]  }
0x25: {  	s29 =	simm.s32 $0xD0;
	v6 =	vld [tilespmem:$0x50]  }
0x26: {  	v7 =	vld [tilespmem:s29+$0xFFFFFFB0]  }
0x27: {  	v8 =	vld [tilespmem:s29+$0xFFFFFFC0]  }
0x28: {  	v9 =	vld [tilespmem:s29+$0xFFFFFFD0]  }
0x29: {  	v10 =	vld [tilespmem:s29+$0xFFFFFFE0]  }
0x2a: {  	s30 =	sshll.u32 s1, $0x8;
	v11 =	vld [tilespmem:s29+$0xFFFFFFF0]  }
0x2b: {  	v0 =	vmov s30;
	v12 =	vld [tilespmem:s29+$0x0]  }
0x2c: {  	v13 =	vand.u32 $0x7FFFFFFF, v1;
	v2 =	vand.u32 $0x7FFFFFFF, v2;
	v3 =	vand.u32 $0x7FFFFFFF, v3  }
0x2d: {  	s31 =	simm.s32 $0x150;
	v14 =	vand.u32 $0x7FFFFFFF, v4;
	v16 =	vand.u32 $0x7FFFFFFF, v5;
	v17 =	vand.u32 $0x7FFFFFFF, v6  }
0x2e: {  	v15 =	vld [tilespmem:s31+$0xFFFFFFB0];
	v1 =	vimm.s32 $0x0;
	v4 =	vand.u32 $0x7FFFFFFF, v7;
	v5 =	vand.u32 $0x7FFFFFFF, v8  }
0x2f: {  	v18 =	vld [tilespmem:s31+$0x0];
	v7 =	vand.u32 $0x7FFFFFFF, v9;
	v10 =	vand.u32 $0x7FFFFFFF, v10;
	v11 =	vand.u32 $0x7FFFFFFF, v11  }
0x30: {  	v12 =	vand.u32 $0x7FFFFFFF, v12;
	v8 =	vld [tilespmem:s31+$0xFFFFFFC0];
	vm3 =	vgt.f32 v4, v13;
	vm4 =	vgt.f32 v5, v2  }
0x31: {  	v9 =	vld [tilespmem:s31+$0xFFFFFFD0];
	vm5 =	vgt.f32 v7, v3;
	vm0 =	vgt.f32 v10, v14;
	vm1 =	vgt.f32 v11, v16  }
0x32: {  	vm2 =	vgt.f32 v12, v17;
	v6 =	vsel vm3, v4, v13;
	v4 =	vsel vm4, v5, v2;
	v13 =	vld [tilespmem:s31+$0xFFFFFFE0]  }
0x33: {  	v5 =	vsel vm5, v7, v3;
	v7 =	vsel vm0, v10, v14;
	v3 =	vsel vm1, v11, v16;
	v14 =	vld [tilespmem:s31+$0xFFFFFFF0]  }
0x34: {  	s7 =	simm.s32 $0x3;
	v2 =	vsel vm2, v12, v17;
	v11 =	vsel vm3, s3, v1;
	v10 =	vsel vm4, s3, v1  }
0x35: {  	s4 =	sadd.s32 $0x4200, s4;
	s5 =	simm.s32 $0x2;
	s6 =	simm.s32 $0x1D0;
	v12 =	vsel vm5, s3, v1;
	v16 =	vimm.s32 $0x0;
	v17 =	vimm.s32 $0x0  }
.LBB2_2:
0x36: {  	v19 =	vld [tilespmem:s6+$0xFFFFFFB0];
	p0 =	sne.s32 s7, $0xFF;
	v1 =	vsel vm0, s3, v1;
	v16 =	vsel vm1, s3, v16;
	v17 =	vsel vm2, s3, v17;
	s3 =	smov.u32 s5;
	s5 =	smov.u32 s7  }
0x37: {  	v15 =	vand.u32 $0x7FFFFFFF, v15;
	v20 =	vand.u32 $0x7FFFFFFF, v8;
	v21 =	vand.u32 $0x7FFFFFFF, v9;
	v8 =	vld [tilespmem:s6+$0xFFFFFFC0]  }
0x38: {  	v22 =	vand.u32 $0x7FFFFFFF, v13;
	v23 =	vand.u32 $0x7FFFFFFF, v14;
	v9 =	vld [tilespmem:s6+$0xFFFFFFD0];
	v24 =	vand.u32 $0x7FFFFFFF, v18  }
.Ltmp1:
0x39: {  	vm3 =	vgt.f32 v15, v6;
	vm4 =	vgt.f32 v20, v4;
	vm5 =	vgt.f32 v21, v5;
	v13 =	vld [tilespmem:s6+$0xFFFFFFE0];
	(pc) =	sbr.rel @p0 .LBB2_2-.Ltmp1, $4  }
0x3a: {  	v6 =	vsel vm3, v15, v6;
	v4 =	vsel vm4, v20, v4;
	v5 =	vsel vm5, v21, v5;
	v14 =	vld [tilespmem:s6+$0xFFFFFFF0]  }
0x3b: {  	vm0 =	vgt.f32 v22, v7;
	vm1 =	vgt.f32 v23, v3;
	vm2 =	vgt.f32 v24, v2;
	v18 =	vld [tilespmem:s6+$0x0];
	v15 =	vmovc v19  }
0x3c: {  	v7 =	vsel vm0, v22, v7;
	v3 =	vsel vm1, v23, v3;
	v2 =	vsel vm2, v24, v2  }
0x3d: {  	s7 =	sadd.s32 $0x1, s7;
	v11 =	vsel vm3, s3, v11;
	v10 =	vsel vm4, s3, v10;
	v12 =	vsel vm5, s3, v12;
	s6 =	sadd.s32 $0x80, s6  }
0x3e: {  	v1 =	vsel vm0, s3, v1;
	v16 =	vsel vm1, s3, v16;
	v17 =	vsel vm2, s3, v17  }
0x3f: {  	v15 =	vand.u32 $0x7FFFFFFF, v15;
	v8 =	vand.u32 $0x7FFFFFFF, v8;
	v9 =	vand.u32 $0x7FFFFFFF, v9  }
0x40: {  	v13 =	vand.u32 $0x7FFFFFFF, v13;
	v14 =	vand.u32 $0x7FFFFFFF, v14;
	vm10 =	vgt.f32 v15, v6  }
0x41: {  	vm11 =	vgt.f32 v8, v4;
	vm12 =	vgt.f32 v9, v5;
	v55 =	vsel vm10, s5, v11  }
0x42: {  	vm13 =	vgt.f32 v13, v7;
	v56 =	vsel vm11, s5, v10;
	v4 =	vadd.s32 v0, v55  }
0x43: {  	v54 =	vand.u32 $0x7FFFFFFF, v18;
	v57 =	vsel vm12, s5, v12;
	v58 =	vadd.s32 v0, v56;
	[tilespmem:$0x8000] =	vst v4  }
0x44: {  	vm14 =	vgt.f32 v14, v3;
	v1 =	vsel vm13, s5, v1;
	v59 =	vadd.s32 v0, v57;
	[tilespmem:$0x8010] =	vst v58  }
0x45: {  	vm15 =	vgt.f32 v54, v2;
	v60 =	vsel vm14, s5, v16;
	v1 =	vadd.s32 v0, v1;
	[tilespmem:$0x8020] =	vst v59  }
0x46: {  	v61 =	vsel vm15, s5, v17;
	[tilespmem:$0x8030] =	vst v1;
	v62 =	vadd.s32 v0, v60  }
0x47: {  	s26 =	simm.s32 $0x60;
	[tilespmem:$0x8040] =	vst v62;
	v63 =	vadd.s32 v0, v61  }
0x48: {  	s28 =	simm.s32 $0x8000;
	s6 =	simm.s32 $0x8080;
	s29 =	simm.s32 $0x3;
	[tilespmem:$0x8050] =	vst v63  }
0x49: {  	[tilespmem:s6], [sflag:$0x3] =	stream.indirect.gather [hbm4b:s4+s26], $0x1, s28, s26, $0xb8;
	[tilespmem:$0x8200] =	vst v63  }
0x4a: {  	_ =	swait.ge [sflag:s29], $0x60  }
0x4b: {  	[sflag:s29] =	ssyncset.done $0x0  }
0x4c: {  	s30 =	simm.s32 $0x2;
	[sflag:s29] =	ssyncadd.s32 $0xFFFFFFA0  }
0x4d: {  	_ =	swait.ge [sflag:s30], $0x100  }
0x4e: {  	[sflag:s30] =	ssyncset.done $0x0  }
0x4f: {  	s31 =	simm.s32 $0x1;
	[sflag:s30] =	ssyncadd.s32 $0xFFFFFF00  }
0x50: {  	[hbm4b:s2+s26] =	stream.indirect.scatter [tilespmem:s6], [sflag:$0x1], $0x1, s28, s26, $0xb8;
	[tilespmem:$0x8200] =	vst v63  }
0x51: {  	_ =	swait.ge [sflag:s31], $0x60  }
0x52: {  	[sflag:s31] =	ssyncset.done $0x0  }
0x53: {  	[sflag:s31] =	ssyncadd.s32 $0xFFFFFFA0  }
.LBB2_4:
0x54: {  	_ =	sfence.sel $0x180000  }
0x55: {  	[bflag:$0x0] =	sbarrier.arrive $0xFFFF  }
0x56: {  	p0 =	sne.s32 s1, $0x0;
	_ =	strace $0x90000047  }
0x57: {  	s0 =	sadd.s32 @!p0 $0x100000, s0;
	[bflag:$0x2] =	sbarrier.arrive $0xFFFF  }
0x58: {  	[sflag:s0] =	ssyncadd.tile.s32 @!p0 $0x1;
	_ =	shalt  }
.Lfunc_end2:
_tile_overlayer_lowered:
.L_overlay_start_2:
0x59: {  	(tag) =	ssettag $0x2  }
0x5a: {  	s0 =	rddreg [dreg:$0x0];
	s2 =	stileid.u32  }
0x5b: {  	s1 =	rddreg [dreg:$0x1];
	p0 =	sne.s32 s2, $0x0  }
0x5c: {  	s3 =	rddreg [dreg:$0x2];
	[bflag:$0x3] =	sbarrier.arrive $0xFFFF;
	s2 =	simm.s32 @!p0 $0x1C04  }
0x5d: {  	[timem:s3], [sflag:s2] =	dma.local @!p0 [hbm:s0], s1  }
0x5e: {  	s0 =	simm.s32 @!p0 $0x4  }
0x5f: {  	_ =	swait.ge @!p0 [sflag:s0], s1  }
0x60: {  	s1 =	ssub.s32 @!p0 $0x0, s1;
	[sflag:s0] =	ssyncset.done @!p0 $0x0  }
0x61: {  	[sflag:s0] =	ssyncadd.s32 @!p0 s1  }
0x62: {  	[bflag:$0x3] =	sbarrier.arrive $0xFFFF  }
0x63: {  	_ =	shalt  }

</sc_bundles>
